<compile_context>
chip_gen: v7x
topology: tpu7x:2x2x1
jax: 0.10.2.dev20260603
libtpu: 0.0.44.dev20260713+nightly
codegen_flags: <defaults>
</compile_context>

<pallas_src>
import functools

import jax
import jax.numpy as jnp
from jax import lax
from jax.experimental import pallas as pl
from jax.experimental.pallas import tpu as pltpu
from jax.experimental.pallas import tpu_sc as plsc

B = 1024
D = 16
TILE_I = 128


@functools.cache
def _make_sc_gather():
    info = plsc.get_sparse_core_info()
    nc, ns = info.num_cores, info.num_subcores
    nw = nc * ns
    b_per_w = B // nw

    mesh = plsc.VectorSubcoreMesh(core_axis_name="c", subcore_axis_name="s")
    row_t = jax.ShapeDtypeStruct((B, D), jnp.float32)

    @functools.partial(
        pl.kernel,
        out_type=(row_t, row_t, row_t, row_t),
        mesh=mesh,
        scratch_types=[
            pltpu.VMEM((b_per_w + 16,), jnp.int32),
            pltpu.VMEM((b_per_w + 16,), jnp.int32),
            pltpu.VMEM((b_per_w, D), jnp.float32),
            pltpu.VMEM((b_per_w, D), jnp.float32),
            pltpu.VMEM((b_per_w, D), jnp.float32),
            pltpu.VMEM((b_per_w, D), jnp.float32),
            pltpu.SemaphoreType.DMA,
        ],
        compiler_params=pltpu.CompilerParams(
            needs_layout_passes=False),
    )
    def sc_gather(ent_hbm, ent_type_hbm,
                  ent_emb_hbm, type_emb_hbm, ent_proj_hbm, type_proj_hbm,
                  e_out, t_out, p_out, q_out,
                  eidx_v, tidx_v,
                  sel_e, sel_t, sel_p, sel_q, sem):
        wid = lax.axis_index("s") * nc + lax.axis_index("c")
        base = wid * b_per_w
        sl = pl.ds(base, b_per_w)
        pltpu.sync_copy(ent_hbm.at[sl], eidx_v.at[pl.ds(0, b_per_w)])
        pltpu.sync_copy(ent_type_hbm.at[sl], tidx_v.at[pl.ds(0, b_per_w)])

        def body(r, _):
            es = eidx_v[pl.ds(r, 16)][0]
            ts = tidx_v[pl.ds(r, 16)][0]
            dst = pl.ds(r, 1)
            pltpu.make_async_copy(
                ent_emb_hbm.at[pl.ds(es, 1)], sel_e.at[dst], sem).start()
            pltpu.make_async_copy(
                type_emb_hbm.at[pl.ds(ts, 1)], sel_t.at[dst], sem).start()
            pltpu.make_async_copy(
                ent_proj_hbm.at[pl.ds(es, 1)], sel_p.at[dst], sem).start()
            pltpu.make_async_copy(
                type_proj_hbm.at[pl.ds(ts, 1)], sel_q.at[dst], sem).start()
            return _

        lax.fori_loop(0, b_per_w, body, None)
        pltpu.make_async_copy(ent_emb_hbm.at[pl.ds(0, b_per_w)], sel_e, sem).wait()
        pltpu.make_async_copy(ent_emb_hbm.at[pl.ds(0, b_per_w)], sel_t, sem).wait()
        pltpu.make_async_copy(ent_emb_hbm.at[pl.ds(0, b_per_w)], sel_p, sem).wait()
        pltpu.make_async_copy(ent_emb_hbm.at[pl.ds(0, b_per_w)], sel_q, sem).wait()
        pltpu.sync_copy(sel_e, e_out.at[sl])
        pltpu.sync_copy(sel_t, t_out.at[sl])
        pltpu.sync_copy(sel_p, p_out.at[sl])
        pltpu.sync_copy(sel_q, q_out.at[sl])

    return sc_gather


def _score_body(e_ref, t_ref, pT_ref, qT_ref, o_ref):
    e = e_ref[...]
    t = t_ref[...]
    pT = pT_ref[...]
    qT = qT_ref[...]
    dn = (((1,), (0,)), ((), ()))
    a = lax.dot_general(e, pT, dn, preferred_element_type=jnp.float32)
    c = lax.dot_general(t, qT, dn, preferred_element_type=jnp.float32)
    u = e - t
    acc = jnp.zeros((TILE_I, B), jnp.float32)
    for d in range(D):
        term = u[:, d:d + 1] + a * pT[d:d + 1, :] - c * qT[d:d + 1, :]
        acc = acc + jnp.abs(term)
    o_ref[...] = acc


def _tc_score(e, t, pT, qT):
    grid = B // TILE_I
    return pl.pallas_call(
        _score_body,
        grid=(grid,),
        in_specs=[
            pl.BlockSpec((TILE_I, D), lambda i: (i, 0)),
            pl.BlockSpec((TILE_I, D), lambda i: (i, 0)),
            pl.BlockSpec((D, B), lambda i: (0, 0)),
            pl.BlockSpec((D, B), lambda i: (0, 0)),
        ],
        out_specs=pl.BlockSpec((TILE_I, B), lambda i: (i, 0)),
        out_shape=jax.ShapeDtypeStruct((B, B), jnp.float32),
    )(e, t, pT, qT)


def kernel(ent, ent_type, ent_emb, type_emb, ent_proj, type_proj):
    ent = ent.astype(jnp.int32)
    ent_type = ent_type.astype(jnp.int32)
    e, t, p, q = _make_sc_gather()(
        ent, ent_type, ent_emb, type_emb, ent_proj, type_proj)
    return _tc_score(e, t, p.T, q.T)

# --- scband reference (transcript-rebuilt; emitter-appended) ---
"""Pipeline reference for scband-type-model-trans-d-16552803959069 (READ-ONLY COPY).

The authoritative reference and input builder live on the scoring server;
editing this copy changes nothing except your own understanding.
"""

import jax, jax.numpy as jnp
import numpy as np

NUM_ENT = 1000000
NUM_TYPE = 1000
D = 16
B = 1024

def _xavier(key, shape):
    limit = float(np.sqrt(6.0 / (shape[0] + shape[1])))
    return jax.random.uniform(key, shape, minval=-limit, maxval=limit, dtype=jnp.float32)

def setup_inputs(seed: int = 0) -> dict:
    key = jax.random.key(seed)
    k1, k2, k3, k4, k5, k6 = jax.random.split(key, 6)
    ent = jax.random.randint(k1, (B,), 0, NUM_ENT, dtype=jnp.int64 if jax.config.jax_enable_x64 else jnp.int32)
    ent_type = jax.random.randint(k2, (B,), 0, NUM_TYPE, dtype=jnp.int64 if jax.config.jax_enable_x64 else jnp.int32)
    ent_emb = _xavier(k3, (NUM_ENT, D))
    type_emb = _xavier(k4, (NUM_TYPE, D))
    ent_proj = _xavier(k5, (NUM_ENT, D))
    type_proj = _xavier(k6, (NUM_TYPE, D))
    return {"ent": ent, "ent_type": ent_type, "ent_emb": ent_emb, "type_emb": type_emb, "ent_proj": ent_proj, "type_proj": type_proj}

def _project(proj_vec, embeddings):
    # proj_vec: [B, D]; embeddings: [B, 1, D] -> numpy broadcasting yields [B, B, D]
    dot_product = jnp.sum(proj_vec * embeddings, axis=-1, keepdims=True)
    projected = embeddings + dot_product * proj_vec
    return projected

def reference(ent, ent_type, ent_emb, type_emb, ent_proj, type_proj):
    # BatchType.SINGLE branch
    e = jnp.take(ent_emb, ent, axis=0)[:, None, :]      # [B, 1, D]
    t = jnp.take(type_emb, ent_type, axis=0)[:, None, :]  # [B, 1, D]
    e_p = _project(jnp.take(ent_proj, ent, axis=0), e)
    t_p = _project(jnp.take(type_proj, ent_type, axis=0), t)
    # torch.norm(..., p=1, dim=-1)
    score = jnp.sum(jnp.abs(e_p - t_p), axis=-1)
    return score

if __name__ == "__main__":
    import jax
    _d = setup_inputs()
    print(jax.jit(kernel)(*tuple(_d.values())))

</pallas_src>

<mosaic_0001>
#map = affine_map<(d0, d1) -> (0)>
#map1 = affine_map<(d0, d1) -> (0, 0)>
module attributes {stable_mosaic.version = 14 : i64} {
  func.func @sc_gather(%arg0: i32, %arg1: i32, %arg2: memref<1024xi32, #tpu.memory_space<hbm>>, %arg3: memref<1024xi32, #tpu.memory_space<hbm>>, %arg4: memref<1000000x16xf32, #tpu.memory_space<hbm>>, %arg5: memref<1000x16xf32, #tpu.memory_space<hbm>>, %arg6: memref<1000000x16xf32, #tpu.memory_space<hbm>>, %arg7: memref<1000x16xf32, #tpu.memory_space<hbm>>, %arg8: memref<1024x16xf32, #tpu.memory_space<hbm>>, %arg9: memref<1024x16xf32, #tpu.memory_space<hbm>>, %arg10: memref<1024x16xf32, #tpu.memory_space<hbm>>, %arg11: memref<1024x16xf32, #tpu.memory_space<hbm>>, %arg12: memref<48xi32, #tpu.memory_space<vmem>>, %arg13: memref<48xi32, #tpu.memory_space<vmem>>, %arg14: memref<32x16xf32, #tpu.memory_space<vmem>>, %arg15: memref<32x16xf32, #tpu.memory_space<vmem>>, %arg16: memref<32x16xf32, #tpu.memory_space<vmem>>, %arg17: memref<32x16xf32, #tpu.memory_space<vmem>>, %arg18: memref<!tpu.dma_semaphore, #tpu.memory_space<semaphore_mem>>) attributes {dimension_semantics = [#tpu.dimension_semantics<core_parallel>, #tpu.dimension_semantics<subcore_parallel>], iteration_bounds = array<i64: 2, 16>, scalar_prefetch = 0 : i64, scratch_operands = 7 : i64, tpu.core_type = #tpu.core_type<sc_vector_subcore>, window_params = [{transform_indices = #map}, {transform_indices = #map}, {transform_indices = #map1}, {transform_indices = #map1}, {transform_indices = #map1}, {transform_indices = #map1}, {transform_indices = #map1}, {transform_indices = #map1}, {transform_indices = #map1}, {transform_indices = #map1}]} {
    %mul3A = arith.constant 2 : i32
    %mul3A_0 = arith.muli %arg1, %mul3A : i32
    %add3A = arith.addi %mul3A_0, %arg0 : i32
    %mul3A_1 = arith.constant 32 : i32
    %mul3A_2 = arith.muli %add3A, %mul3A_1 : i32
    "tpu.region"() ({
      %run_scoped3A = tpu.sem_alloc : memref<!tpu.dma_semaphore, #tpu.memory_space<semaphore_mem>>
      %dma_start3A = arith.constant 0 : i32
      %dma_start3A_30 = tpu.memref_slice %arg12[%dma_start3A] : memref<48xi32, #tpu.memory_space<vmem>> -> memref<32xi32, #tpu.memory_space<vmem>>
      %dma_start3A_31 = tpu.memref_slice %arg2[%mul3A_2] : memref<1024xi32, #tpu.memory_space<hbm>> -> memref<32xi32, #tpu.memory_space<hbm>>
      %dma_start3A_32 = arith.constant 0 : i32
      %dma_start3A_33 = tpu.memref_slice %arg12[%dma_start3A_32] : memref<48xi32, #tpu.memory_space<vmem>> -> memref<32xi32, #tpu.memory_space<vmem>>
      %dma_start3A_34 = tpu.memref_slice %arg2[%mul3A_2] : memref<1024xi32, #tpu.memory_space<hbm>> -> memref<32xi32, #tpu.memory_space<hbm>>
      tpu.enqueue_dma source(%dma_start3A_34 : memref<32xi32, #tpu.memory_space<hbm>>) target(%dma_start3A_33 : memref<32xi32, #tpu.memory_space<vmem>>) target_semaphore(%run_scoped3A : memref<!tpu.dma_semaphore, #tpu.memory_space<semaphore_mem>>)
      %dma_wait3A_35 = arith.constant 0 : i32
      %dma_wait3A_36 = tpu.memref_slice %arg12[%dma_wait3A_35] : memref<48xi32, #tpu.memory_space<vmem>> -> memref<32xi32, #tpu.memory_space<vmem>>
      %dma_wait3A_37 = tpu.memref_slice %arg2[%mul3A_2] : memref<1024xi32, #tpu.memory_space<hbm>> -> memref<32xi32, #tpu.memory_space<hbm>>
      %dma_wait3A_38 = arith.constant 0 : i32
      %dma_wait3A_39 = tpu.memref_slice %arg12[%dma_wait3A_38] : memref<48xi32, #tpu.memory_space<vmem>> -> memref<32xi32, #tpu.memory_space<vmem>>
      %dma_wait3A_40 = tpu.memref_slice %arg2[%mul3A_2] : memref<1024xi32, #tpu.memory_space<hbm>> -> memref<32xi32, #tpu.memory_space<hbm>>
      tpu.wait_dma2 semaphore(%run_scoped3A : memref<!tpu.dma_semaphore, #tpu.memory_space<semaphore_mem>>) src(%dma_wait3A_40 : memref<32xi32, #tpu.memory_space<hbm>>) dst(%dma_wait3A_39 : memref<32xi32, #tpu.memory_space<vmem>>)
      tpu.yield
    }) : () -> ()
    "tpu.region"() ({
      %run_scoped3A = tpu.sem_alloc : memref<!tpu.dma_semaphore, #tpu.memory_space<semaphore_mem>>
      %dma_start3A = arith.constant 0 : i32
      %dma_start3A_30 = tpu.memref_slice %arg13[%dma_start3A] : memref<48xi32, #tpu.memory_space<vmem>> -> memref<32xi32, #tpu.memory_space<vmem>>
      %dma_start3A_31 = tpu.memref_slice %arg3[%mul3A_2] : memref<1024xi32, #tpu.memory_space<hbm>> -> memref<32xi32, #tpu.memory_space<hbm>>
      %dma_start3A_32 = arith.constant 0 : i32
      %dma_start3A_33 = tpu.memref_slice %arg13[%dma_start3A_32] : memref<48xi32, #tpu.memory_space<vmem>> -> memref<32xi32, #tpu.memory_space<vmem>>
      %dma_start3A_34 = tpu.memref_slice %arg3[%mul3A_2] : memref<1024xi32, #tpu.memory_space<hbm>> -> memref<32xi32, #tpu.memory_space<hbm>>
      tpu.enqueue_dma source(%dma_start3A_34 : memref<32xi32, #tpu.memory_space<hbm>>) target(%dma_start3A_33 : memref<32xi32, #tpu.memory_space<vmem>>) target_semaphore(%run_scoped3A : memref<!tpu.dma_semaphore, #tpu.memory_space<semaphore_mem>>)
      %dma_wait3A_35 = arith.constant 0 : i32
      %dma_wait3A_36 = tpu.memref_slice %arg13[%dma_wait3A_35] : memref<48xi32, #tpu.memory_space<vmem>> -> memref<32xi32, #tpu.memory_space<vmem>>
      %dma_wait3A_37 = tpu.memref_slice %arg3[%mul3A_2] : memref<1024xi32, #tpu.memory_space<hbm>> -> memref<32xi32, #tpu.memory_space<hbm>>
      %dma_wait3A_38 = arith.constant 0 : i32
      %dma_wait3A_39 = tpu.memref_slice %arg13[%dma_wait3A_38] : memref<48xi32, #tpu.memory_space<vmem>> -> memref<32xi32, #tpu.memory_space<vmem>>
      %dma_wait3A_40 = tpu.memref_slice %arg3[%mul3A_2] : memref<1024xi32, #tpu.memory_space<hbm>> -> memref<32xi32, #tpu.memory_space<hbm>>
      tpu.wait_dma2 semaphore(%run_scoped3A : memref<!tpu.dma_semaphore, #tpu.memory_space<semaphore_mem>>) src(%dma_wait3A_40 : memref<32xi32, #tpu.memory_space<hbm>>) dst(%dma_wait3A_39 : memref<32xi32, #tpu.memory_space<vmem>>)
      tpu.yield
    }) : () -> ()
    %scan3A = arith.constant 0 : i32
    %scan3A_3 = arith.constant 32 : i32
    %scan3A_4 = arith.addi %scan3A, %scan3A_3 : i32
    %scan3A_5 = arith.constant 1 : i32
    scf.for %scan3A_30 = %scan3A to %scan3A_4 step %scan3A_5  : i32 {
      %get3A = arith.index_cast %scan3A_30 : i32 to index
      %get3A_31 = tpu.vector_load %arg12[%get3A] {strides = array<i32>} : memref<48xi32, #tpu.memory_space<vmem>>, vector<16xi32>,
      %slice3A = vector.extract_strided_slice %get3A_31 {offsets = [0], sizes = [1], strides = [1]} : vector<16xi32> to vector<1xi32>
      %squeeze3A = vector.extract %slice3A[0] : i32 from vector<1xi32>
      %get3A_32 = arith.index_cast %scan3A_30 : i32 to index
      %get3A_33 = tpu.vector_load %arg13[%get3A_32] {strides = array<i32>} : memref<48xi32, #tpu.memory_space<vmem>>, vector<16xi32>,
      %slice3A_34 = vector.extract_strided_slice %get3A_33 {offsets = [0], sizes = [1], strides = [1]} : vector<16xi32> to vector<1xi32>
      %squeeze3A_35 = vector.extract %slice3A_34[0] : i32 from vector<1xi32>
      %dma_start3A = arith.constant 0 : i32
      %dma_start3A_36 = tpu.memref_slice %arg14[%scan3A_30, %dma_start3A] : memref<32x16xf32, #tpu.memory_space<vmem>> -> memref<1x16xf32, #tpu.memory_space<vmem>>
      %dma_start3A_37 = arith.constant 0 : i32
      %dma_start3A_38 = tpu.memref_slice %arg4[%squeeze3A, %dma_start3A_37] : memref<1000000x16xf32, #tpu.memory_space<hbm>> -> memref<1x16xf32, #tpu.memory_space<hbm>>
      %dma_start3A_39 = arith.constant 0 : i32
      %dma_start3A_40 = tpu.memref_slice %arg14[%scan3A_30, %dma_start3A_39] : memref<32x16xf32, #tpu.memory_space<vmem>> -> memref<1x16xf32, #tpu.memory_space<vmem>>
      %dma_start3A_41 = arith.constant 0 : i32
      %dma_start3A_42 = tpu.memref_slice %arg4[%squeeze3A, %dma_start3A_41] : memref<1000000x16xf32, #tpu.memory_space<hbm>> -> memref<1x16xf32, #tpu.memory_space<hbm>>
      tpu.enqueue_dma source(%dma_start3A_42 : memref<1x16xf32, #tpu.memory_space<hbm>>) target(%dma_start3A_40 : memref<1x16xf32, #tpu.memory_space<vmem>>) target_semaphore(%arg18 : memref<!tpu.dma_semaphore, #tpu.memory_space<semaphore_mem>>)
      %dma_start3A_43 = arith.constant 0 : i32
      %dma_start3A_44 = tpu.memref_slice %arg15[%scan3A_30, %dma_start3A_43] : memref<32x16xf32, #tpu.memory_space<vmem>> -> memref<1x16xf32, #tpu.memory_space<vmem>>
      %dma_start3A_45 = arith.constant 0 : i32
      %dma_start3A_46 = tpu.memref_slice %arg5[%squeeze3A_35, %dma_start3A_45] : memref<1000x16xf32, #tpu.memory_space<hbm>> -> memref<1x16xf32, #tpu.memory_space<hbm>>
      %dma_start3A_47 = arith.constant 0 : i32
      %dma_start3A_48 = tpu.memref_slice %arg15[%scan3A_30, %dma_start3A_47] : memref<32x16xf32, #tpu.memory_space<vmem>> -> memref<1x16xf32, #tpu.memory_space<vmem>>
      %dma_start3A_49 = arith.constant 0 : i32
      %dma_start3A_50 = tpu.memref_slice %arg5[%squeeze3A_35, %dma_start3A_49] : memref<1000x16xf32, #tpu.memory_space<hbm>> -> memref<1x16xf32, #tpu.memory_space<hbm>>
      tpu.enqueue_dma source(%dma_start3A_50 : memref<1x16xf32, #tpu.memory_space<hbm>>) target(%dma_start3A_48 : memref<1x16xf32, #tpu.memory_space<vmem>>) target_semaphore(%arg18 : memref<!tpu.dma_semaphore, #tpu.memory_space<semaphore_mem>>)
      %dma_start3A_51 = arith.constant 0 : i32
      %dma_start3A_52 = tpu.memref_slice %arg16[%scan3A_30, %dma_start3A_51] : memref<32x16xf32, #tpu.memory_space<vmem>> -> memref<1x16xf32, #tpu.memory_space<vmem>>
      %dma_start3A_53 = arith.constant 0 : i32
      %dma_start3A_54 = tpu.memref_slice %arg6[%squeeze3A, %dma_start3A_53] : memref<1000000x16xf32, #tpu.memory_space<hbm>> -> memref<1x16xf32, #tpu.memory_space<hbm>>
      %dma_start3A_55 = arith.constant 0 : i32
      %dma_start3A_56 = tpu.memref_slice %arg16[%scan3A_30, %dma_start3A_55] : memref<32x16xf32, #tpu.memory_space<vmem>> -> memref<1x16xf32, #tpu.memory_space<vmem>>
      %dma_start3A_57 = arith.constant 0 : i32
      %dma_start3A_58 = tpu.memref_slice %arg6[%squeeze3A, %dma_start3A_57] : memref<1000000x16xf32, #tpu.memory_space<hbm>> -> memref<1x16xf32, #tpu.memory_space<hbm>>
      tpu.enqueue_dma source(%dma_start3A_58 : memref<1x16xf32, #tpu.memory_space<hbm>>) target(%dma_start3A_56 : memref<1x16xf32, #tpu.memory_space<vmem>>) target_semaphore(%arg18 : memref<!tpu.dma_semaphore, #tpu.memory_space<semaphore_mem>>)
      %dma_start3A_59 = arith.constant 0 : i32
      %dma_start3A_60 = tpu.memref_slice %arg17[%scan3A_30, %dma_start3A_59] : memref<32x16xf32, #tpu.memory_space<vmem>> -> memref<1x16xf32, #tpu.memory_space<vmem>>
      %dma_start3A_61 = arith.constant 0 : i32
      %dma_start3A_62 = tpu.memref_slice %arg7[%squeeze3A_35, %dma_start3A_61] : memref<1000x16xf32, #tpu.memory_space<hbm>> -> memref<1x16xf32, #tpu.memory_space<hbm>>
      %dma_start3A_63 = arith.constant 0 : i32
      %dma_start3A_64 = tpu.memref_slice %arg17[%scan3A_30, %dma_start3A_63] : memref<32x16xf32, #tpu.memory_space<vmem>> -> memref<1x16xf32, #tpu.memory_space<vmem>>
      %dma_start3A_65 = arith.constant 0 : i32
      %dma_start3A_66 = tpu.memref_slice %arg7[%squeeze3A_35, %dma_start3A_65] : memref<1000x16xf32, #tpu.memory_space<hbm>> -> memref<1x16xf32, #tpu.memory_space<hbm>>
      tpu.enqueue_dma source(%dma_start3A_66 : memref<1x16xf32, #tpu.memory_space<hbm>>) target(%dma_start3A_64 : memref<1x16xf32, #tpu.memory_space<vmem>>) target_semaphore(%arg18 : memref<!tpu.dma_semaphore, #tpu.memory_space<semaphore_mem>>)
    }
    %scan3A_6 = arith.constant 32 : i32
    %dma_wait3A = arith.constant 0 : i32
    %dma_wait3A_7 = arith.constant 0 : i32
    %dma_wait3A_8 = tpu.memref_slice %arg4[%dma_wait3A, %dma_wait3A_7] : memref<1000000x16xf32, #tpu.memory_space<hbm>> -> memref<32x16xf32, #tpu.memory_space<hbm>>
    %dma_wait3A_9 = arith.constant 0 : i32
    %dma_wait3A_10 = arith.constant 0 : i32
    %dma_wait3A_11 = tpu.memref_slice %arg4[%dma_wait3A_9, %dma_wait3A_10] : memref<1000000x16xf32, #tpu.memory_space<hbm>> -> memref<32x16xf32, #tpu.memory_space<hbm>>
    tpu.wait_dma2 semaphore(%arg18 : memref<!tpu.dma_semaphore, #tpu.memory_space<semaphore_mem>>) src(%dma_wait3A_11 : memref<32x16xf32, #tpu.memory_space<hbm>>) dst(%arg14 : memref<32x16xf32, #tpu.memory_space<vmem>>)
    %dma_wait3A_12 = arith.constant 0 : i32
    %dma_wait3A_13 = arith.constant 0 : i32
    %dma_wait3A_14 = tpu.memref_slice %arg4[%dma_wait3A_12, %dma_wait3A_13] : memref<1000000x16xf32, #tpu.memory_space<hbm>> -> memref<32x16xf32, #tpu.memory_space<hbm>>
    %dma_wait3A_15 = arith.constant 0 : i32
    %dma_wait3A_16 = arith.constant 0 : i32
    %dma_wait3A_17 = tpu.memref_slice %arg4[%dma_wait3A_15, %dma_wait3A_16] : memref<1000000x16xf32, #tpu.memory_space<hbm>> -> memref<32x16xf32, #tpu.memory_space<hbm>>
    tpu.wait_dma2 semaphore(%arg18 : memref<!tpu.dma_semaphore, #tpu.memory_space<semaphore_mem>>) src(%dma_wait3A_17 : memref<32x16xf32, #tpu.memory_space<hbm>>) dst(%arg15 : memref<32x16xf32, #tpu.memory_space<vmem>>)
    %dma_wait3A_18 = arith.constant 0 : i32
    %dma_wait3A_19 = arith.constant 0 : i32
    %dma_wait3A_20 = tpu.memref_slice %arg4[%dma_wait3A_18, %dma_wait3A_19] : memref<1000000x16xf32, #tpu.memory_space<hbm>> -> memref<32x16xf32, #tpu.memory_space<hbm>>
    %dma_wait3A_21 = arith.constant 0 : i32
    %dma_wait3A_22 = arith.constant 0 : i32
    %dma_wait3A_23 = tpu.memref_slice %arg4[%dma_wait3A_21, %dma_wait3A_22] : memref<1000000x16xf32, #tpu.memory_space<hbm>> -> memref<32x16xf32, #tpu.memory_space<hbm>>
    tpu.wait_dma2 semaphore(%arg18 : memref<!tpu.dma_semaphore, #tpu.memory_space<semaphore_mem>>) src(%dma_wait3A_23 : memref<32x16xf32, #tpu.memory_space<hbm>>) dst(%arg16 : memref<32x16xf32, #tpu.memory_space<vmem>>)
    %dma_wait3A_24 = arith.constant 0 : i32
    %dma_wait3A_25 = arith.constant 0 : i32
    %dma_wait3A_26 = tpu.memref_slice %arg4[%dma_wait3A_24, %dma_wait3A_25] : memref<1000000x16xf32, #tpu.memory_space<hbm>> -> memref<32x16xf32, #tpu.memory_space<hbm>>
    %dma_wait3A_27 = arith.constant 0 : i32
    %dma_wait3A_28 = arith.constant 0 : i32
    %dma_wait3A_29 = tpu.memref_slice %arg4[%dma_wait3A_27, %dma_wait3A_28] : memref<1000000x16xf32, #tpu.memory_space<hbm>> -> memref<32x16xf32, #tpu.memory_space<hbm>>
    tpu.wait_dma2 semaphore(%arg18 : memref<!tpu.dma_semaphore, #tpu.memory_space<semaphore_mem>>) src(%dma_wait3A_29 : memref<32x16xf32, #tpu.memory_space<hbm>>) dst(%arg17 : memref<32x16xf32, #tpu.memory_space<vmem>>)
    "tpu.region"() ({
      %run_scoped3A = tpu.sem_alloc : memref<!tpu.dma_semaphore, #tpu.memory_space<semaphore_mem>>
      %dma_start3A = arith.constant 0 : i32
      %dma_start3A_30 = tpu.memref_slice %arg8[%mul3A_2, %dma_start3A] : memref<1024x16xf32, #tpu.memory_space<hbm>> -> memref<32x16xf32, #tpu.memory_space<hbm>>
      %dma_start3A_31 = arith.constant 0 : i32
      %dma_start3A_32 = tpu.memref_slice %arg8[%mul3A_2, %dma_start3A_31] : memref<1024x16xf32, #tpu.memory_space<hbm>> -> memref<32x16xf32, #tpu.memory_space<hbm>>
      tpu.enqueue_dma source(%arg14 : memref<32x16xf32, #tpu.memory_space<vmem>>) target(%dma_start3A_32 : memref<32x16xf32, #tpu.memory_space<hbm>>) target_semaphore(%run_scoped3A : memref<!tpu.dma_semaphore, #tpu.memory_space<semaphore_mem>>)
      %dma_wait3A_33 = arith.constant 0 : i32
      %dma_wait3A_34 = tpu.memref_slice %arg8[%mul3A_2, %dma_wait3A_33] : memref<1024x16xf32, #tpu.memory_space<hbm>> -> memref<32x16xf32, #tpu.memory_space<hbm>>
      %dma_wait3A_35 = arith.constant 0 : i32
      %dma_wait3A_36 = tpu.memref_slice %arg8[%mul3A_2, %dma_wait3A_35] : memref<1024x16xf32, #tpu.memory_space<hbm>> -> memref<32x16xf32, #tpu.memory_space<hbm>>
      tpu.wait_dma2 semaphore(%run_scoped3A : memref<!tpu.dma_semaphore, #tpu.memory_space<semaphore_mem>>) src(%arg14 : memref<32x16xf32, #tpu.memory_space<vmem>>) dst(%dma_wait3A_36 : memref<32x16xf32, #tpu.memory_space<hbm>>)
      tpu.yield
    }) : () -> ()
    "tpu.region"() ({
      %run_scoped3A = tpu.sem_alloc : memref<!tpu.dma_semaphore, #tpu.memory_space<semaphore_mem>>
      %dma_start3A = arith.constant 0 : i32
      %dma_start3A_30 = tpu.memref_slice %arg9[%mul3A_2, %dma_start3A] : memref<1024x16xf32, #tpu.memory_space<hbm>> -> memref<32x16xf32, #tpu.memory_space<hbm>>
      %dma_start3A_31 = arith.constant 0 : i32
      %dma_start3A_32 = tpu.memref_slice %arg9[%mul3A_2, %dma_start3A_31] : memref<1024x16xf32, #tpu.memory_space<hbm>> -> memref<32x16xf32, #tpu.memory_space<hbm>>
      tpu.enqueue_dma source(%arg15 : memref<32x16xf32, #tpu.memory_space<vmem>>) target(%dma_start3A_32 : memref<32x16xf32, #tpu.memory_space<hbm>>) target_semaphore(%run_scoped3A : memref<!tpu.dma_semaphore, #tpu.memory_space<semaphore_mem>>)
      %dma_wait3A_33 = arith.constant 0 : i32
      %dma_wait3A_34 = tpu.memref_slice %arg9[%mul3A_2, %dma_wait3A_33] : memref<1024x16xf32, #tpu.memory_space<hbm>> -> memref<32x16xf32, #tpu.memory_space<hbm>>
      %dma_wait3A_35 = arith.constant 0 : i32
      %dma_wait3A_36 = tpu.memref_slice %arg9[%mul3A_2, %dma_wait3A_35] : memref<1024x16xf32, #tpu.memory_space<hbm>> -> memref<32x16xf32, #tpu.memory_space<hbm>>
      tpu.wait_dma2 semaphore(%run_scoped3A : memref<!tpu.dma_semaphore, #tpu.memory_space<semaphore_mem>>) src(%arg15 : memref<32x16xf32, #tpu.memory_space<vmem>>) dst(%dma_wait3A_36 : memref<32x16xf32, #tpu.memory_space<hbm>>)
      tpu.yield
    }) : () -> ()
    "tpu.region"() ({
      %run_scoped3A = tpu.sem_alloc : memref<!tpu.dma_semaphore, #tpu.memory_space<semaphore_mem>>
      %dma_start3A = arith.constant 0 : i32
      %dma_start3A_30 = tpu.memref_slice %arg10[%mul3A_2, %dma_start3A] : memref<1024x16xf32, #tpu.memory_space<hbm>> -> memref<32x16xf32, #tpu.memory_space<hbm>>
      %dma_start3A_31 = arith.constant 0 : i32
      %dma_start3A_32 = tpu.memref_slice %arg10[%mul3A_2, %dma_start3A_31] : memref<1024x16xf32, #tpu.memory_space<hbm>> -> memref<32x16xf32, #tpu.memory_space<hbm>>
      tpu.enqueue_dma source(%arg16 : memref<32x16xf32, #tpu.memory_space<vmem>>) target(%dma_start3A_32 : memref<32x16xf32, #tpu.memory_space<hbm>>) target_semaphore(%run_scoped3A : memref<!tpu.dma_semaphore, #tpu.memory_space<semaphore_mem>>)
      %dma_wait3A_33 = arith.constant 0 : i32
      %dma_wait3A_34 = tpu.memref_slice %arg10[%mul3A_2, %dma_wait3A_33] : memref<1024x16xf32, #tpu.memory_space<hbm>> -> memref<32x16xf32, #tpu.memory_space<hbm>>
      %dma_wait3A_35 = arith.constant 0 : i32
      %dma_wait3A_36 = tpu.memref_slice %arg10[%mul3A_2, %dma_wait3A_35] : memref<1024x16xf32, #tpu.memory_space<hbm>> -> memref<32x16xf32, #tpu.memory_space<hbm>>
      tpu.wait_dma2 semaphore(%run_scoped3A : memref<!tpu.dma_semaphore, #tpu.memory_space<semaphore_mem>>) src(%arg16 : memref<32x16xf32, #tpu.memory_space<vmem>>) dst(%dma_wait3A_36 : memref<32x16xf32, #tpu.memory_space<hbm>>)
      tpu.yield
    }) : () -> ()
    "tpu.region"() ({
      %run_scoped3A = tpu.sem_alloc : memref<!tpu.dma_semaphore, #tpu.memory_space<semaphore_mem>>
      %dma_start3A = arith.constant 0 : i32
      %dma_start3A_30 = tpu.memref_slice %arg11[%mul3A_2, %dma_start3A] : memref<1024x16xf32, #tpu.memory_space<hbm>> -> memref<32x16xf32, #tpu.memory_space<hbm>>
      %dma_start3A_31 = arith.constant 0 : i32
      %dma_start3A_32 = tpu.memref_slice %arg11[%mul3A_2, %dma_start3A_31] : memref<1024x16xf32, #tpu.memory_space<hbm>> -> memref<32x16xf32, #tpu.memory_space<hbm>>
      tpu.enqueue_dma source(%arg17 : memref<32x16xf32, #tpu.memory_space<vmem>>) target(%dma_start3A_32 : memref<32x16xf32, #tpu.memory_space<hbm>>) target_semaphore(%run_scoped3A : memref<!tpu.dma_semaphore, #tpu.memory_space<semaphore_mem>>)
      %dma_wait3A_33 = arith.constant 0 : i32
      %dma_wait3A_34 = tpu.memref_slice %arg11[%mul3A_2, %dma_wait3A_33] : memref<1024x16xf32, #tpu.memory_space<hbm>> -> memref<32x16xf32, #tpu.memory_space<hbm>>
      %dma_wait3A_35 = arith.constant 0 : i32
      %dma_wait3A_36 = tpu.memref_slice %arg11[%mul3A_2, %dma_wait3A_35] : memref<1024x16xf32, #tpu.memory_space<hbm>> -> memref<32x16xf32, #tpu.memory_space<hbm>>
      tpu.wait_dma2 semaphore(%run_scoped3A : memref<!tpu.dma_semaphore, #tpu.memory_space<semaphore_mem>>) src(%arg17 : memref<32x16xf32, #tpu.memory_space<vmem>>) dst(%dma_wait3A_36 : memref<32x16xf32, #tpu.memory_space<hbm>>)
      tpu.yield
    }) : () -> ()
    return
  }
}

module attributes {stable_mosaic.version = 14 : i64} {
  func.func @_score_body(%arg0: i32, %arg1: memref<128x16xf32, #tpu.memory_space<vmem>>, %arg2: memref<128x16xf32, #tpu.memory_space<vmem>>, %arg3: memref<16x1024xf32, #tpu.memory_space<vmem>>, %arg4: memref<16x1024xf32, #tpu.memory_space<vmem>>, %arg5: memref<128x1024xf32, #tpu.memory_space<vmem>>) attributes {dimension_semantics = [#tpu.dimension_semantics<arbitrary>], iteration_bounds = array<i64: 8>, scalar_prefetch = 0 : i64, scratch_operands = 0 : i64, tpu.core_type = #tpu.core_type<tc>, window_params = [{transform_indices = @transform_0, window_bounds = array<i64: 128, 16>}, {transform_indices = @transform_1, window_bounds = array<i64: 128, 16>}, {pipeline_mode = #tpu.pipeline_mode<synchronous>, transform_indices = @transform_2, window_bounds = array<i64: 16, 1024>}, {pipeline_mode = #tpu.pipeline_mode<synchronous>, transform_indices = @transform_3, window_bounds = array<i64: 16, 1024>}, {transform_indices = @transform_4, window_bounds = array<i64: 128, 1024>}]} {
    %get3A = arith.constant 0 : index
    %get3A_0 = arith.constant 0 : index
    %get3A_1 = vector.load %arg1[%get3A, %get3A_0] : memref<128x16xf32, #tpu.memory_space<vmem>>, vector<128x16xf32>
    %get3A_2 = arith.constant 0 : index
    %get3A_3 = arith.constant 0 : index
    %get3A_4 = vector.load %arg2[%get3A_2, %get3A_3] : memref<128x16xf32, #tpu.memory_space<vmem>>, vector<128x16xf32>
    %get3A_5 = arith.constant 0 : index
    %get3A_6 = arith.constant 0 : index
    %get3A_7 = vector.load %arg3[%get3A_5, %get3A_6] : memref<16x1024xf32, #tpu.memory_space<vmem>>, vector<16x1024xf32>
    %get3A_8 = arith.constant 0 : index
    %get3A_9 = arith.constant 0 : index
    %get3A_10 = vector.load %arg4[%get3A_8, %get3A_9] : memref<16x1024xf32, #tpu.memory_space<vmem>>, vector<16x1024xf32>
    %dot_general3A = arith.constant dense<0.000000e+00> : vector<128x1024xf32>
    %dot_general3A_11 = tpu.matmul %get3A_1, %get3A_7, %dot_general3A {dimension_numbers = #tpu.dot_dimension_numbers<[1], [0], [0], [1], [0, 0, 1, 1], [], []>, transpose_lhs_hint = false} : vector<128x16xf32>, vector<16x1024xf32>, vector<128x1024xf32> -> vector<128x1024xf32>
    %dot_general3A_12 = arith.constant dense<0.000000e+00> : vector<128x1024xf32>
    %dot_general3A_13 = tpu.matmul %get3A_4, %get3A_10, %dot_general3A_12 {dimension_numbers = #tpu.dot_dimension_numbers<[1], [0], [0], [1], [0, 0, 1, 1], [], []>, transpose_lhs_hint = false} : vector<128x16xf32>, vector<16x1024xf32>, vector<128x1024xf32> -> vector<128x1024xf32>
    %sub3A = arith.subf %get3A_1, %get3A_4 : vector<128x16xf32>
    %broadcast_in_dim3A = arith.constant 0.000000e+00 : f32
    %broadcast_in_dim3A_14 = vector.broadcast %broadcast_in_dim3A : f32 to vector<128x1024xf32>
    %slice3A = vector.extract_strided_slice %sub3A {offsets = [0, 0], sizes = [128, 1], strides = [1, 1]} : vector<128x16xf32> to vector<128x1xf32>
    %slice3A_15 = vector.extract_strided_slice %get3A_7 {offsets = [0, 0], sizes = [1, 1024], strides = [1, 1]} : vector<16x1024xf32> to vector<1x1024xf32>
    %mul3A = vector.broadcast %slice3A_15 : vector<1x1024xf32> to vector<128x1024xf32>
    %mul3A_16 = arith.mulf %dot_general3A_11, %mul3A : vector<128x1024xf32>
    %add3A = vector.broadcast %slice3A : vector<128x1xf32> to vector<128x1024xf32>
    %add3A_17 = arith.addf %add3A, %mul3A_16 : vector<128x1024xf32>
    %slice3A_18 = vector.extract_strided_slice %get3A_10 {offsets = [0, 0], sizes = [1, 1024], strides = [1, 1]} : vector<16x1024xf32> to vector<1x1024xf32>
    %mul3A_19 = vector.broadcast %slice3A_18 : vector<1x1024xf32> to vector<128x1024xf32>
    %mul3A_20 = arith.mulf %dot_general3A_13, %mul3A_19 : vector<128x1024xf32>
    %sub3A_21 = arith.subf %add3A_17, %mul3A_20 : vector<128x1024xf32>
    %abs3A = math.absf %sub3A_21 : vector<128x1024xf32>
    %add3A_22 = arith.addf %broadcast_in_dim3A_14, %abs3A : vector<128x1024xf32>
    %slice3A_23 = vector.extract_strided_slice %sub3A {offsets = [0, 1], sizes = [128, 1], strides = [1, 1]} : vector<128x16xf32> to vector<128x1xf32>
    %slice3A_24 = vector.extract_strided_slice %get3A_7 {offsets = [1, 0], sizes = [1, 1024], strides = [1, 1]} : vector<16x1024xf32> to vector<1x1024xf32>
    %mul3A_25 = vector.broadcast %slice3A_24 : vector<1x1024xf32> to vector<128x1024xf32>
    %mul3A_26 = arith.mulf %dot_general3A_11, %mul3A_25 : vector<128x1024xf32>
    %add3A_27 = vector.broadcast %slice3A_23 : vector<128x1xf32> to vector<128x1024xf32>
    %add3A_28 = arith.addf %add3A_27, %mul3A_26 : vector<128x1024xf32>
    %slice3A_29 = vector.extract_strided_slice %get3A_10 {offsets = [1, 0], sizes = [1, 1024], strides = [1, 1]} : vector<16x1024xf32> to vector<1x1024xf32>
    %mul3A_30 = vector.broadcast %slice3A_29 : vector<1x1024xf32> to vector<128x1024xf32>
    %mul3A_31 = arith.mulf %dot_general3A_13, %mul3A_30 : vector<128x1024xf32>
    %sub3A_32 = arith.subf %add3A_28, %mul3A_31 : vector<128x1024xf32>
    %abs3A_33 = math.absf %sub3A_32 : vector<128x1024xf32>
    %add3A_34 = arith.addf %add3A_22, %abs3A_33 : vector<128x1024xf32>
    %slice3A_35 = vector.extract_strided_slice %sub3A {offsets = [0, 2], sizes = [128, 1], strides = [1, 1]} : vector<128x16xf32> to vector<128x1xf32>
    %slice3A_36 = vector.extract_strided_slice %get3A_7 {offsets = [2, 0], sizes = [1, 1024], strides = [1, 1]} : vector<16x1024xf32> to vector<1x1024xf32>
    %mul3A_37 = vector.broadcast %slice3A_36 : vector<1x1024xf32> to vector<128x1024xf32>
    %mul3A_38 = arith.mulf %dot_general3A_11, %mul3A_37 : vector<128x1024xf32>
    %add3A_39 = vector.broadcast %slice3A_35 : vector<128x1xf32> to vector<128x1024xf32>
    %add3A_40 = arith.addf %add3A_39, %mul3A_38 : vector<128x1024xf32>
    %slice3A_41 = vector.extract_strided_slice %get3A_10 {offsets = [2, 0], sizes = [1, 1024], strides = [1, 1]} : vector<16x1024xf32> to vector<1x1024xf32>
    %mul3A_42 = vector.broadcast %slice3A_41 : vector<1x1024xf32> to vector<128x1024xf32>
    %mul3A_43 = arith.mulf %dot_general3A_13, %mul3A_42 : vector<128x1024xf32>
    %sub3A_44 = arith.subf %add3A_40, %mul3A_43 : vector<128x1024xf32>
    %abs3A_45 = math.absf %sub3A_44 : vector<128x1024xf32>
    %add3A_46 = arith.addf %add3A_34, %abs3A_45 : vector<128x1024xf32>
    %slice3A_47 = vector.extract_strided_slice %sub3A {offsets = [0, 3], sizes = [128, 1], strides = [1, 1]} : vector<128x16xf32> to vector<128x1xf32>
    %slice3A_48 = vector.extract_strided_slice %get3A_7 {offsets = [3, 0], sizes = [1, 1024], strides = [1, 1]} : vector<16x1024xf32> to vector<1x1024xf32>
    %mul3A_49 = vector.broadcast %slice3A_48 : vector<1x1024xf32> to vector<128x1024xf32>
    %mul3A_50 = arith.mulf %dot_general3A_11, %mul3A_49 : vector<128x1024xf32>
    %add3A_51 = vector.broadcast %slice3A_47 : vector<128x1xf32> to vector<128x1024xf32>
    %add3A_52 = arith.addf %add3A_51, %mul3A_50 : vector<128x1024xf32>
    %slice3A_53 = vector.extract_strided_slice %get3A_10 {offsets = [3, 0], sizes = [1, 1024], strides = [1, 1]} : vector<16x1024xf32> to vector<1x1024xf32>
    %mul3A_54 = vector.broadcast %slice3A_53 : vector<1x1024xf32> to vector<128x1024xf32>
    %mul3A_55 = arith.mulf %dot_general3A_13, %mul3A_54 : vector<128x1024xf32>
    %sub3A_56 = arith.subf %add3A_52, %mul3A_55 : vector<128x1024xf32>
    %abs3A_57 = math.absf %sub3A_56 : vector<128x1024xf32>
    %add3A_58 = arith.addf %add3A_46, %abs3A_57 : vector<128x1024xf32>
    %slice3A_59 = vector.extract_strided_slice %sub3A {offsets = [0, 4], sizes = [128, 1], strides = [1, 1]} : vector<128x16xf32> to vector<128x1xf32>
    %slice3A_60 = vector.extract_strided_slice %get3A_7 {offsets = [4, 0], sizes = [1, 1024], strides = [1, 1]} : vector<16x1024xf32> to vector<1x1024xf32>
    %mul3A_61 = vector.broadcast %slice3A_60 : vector<1x1024xf32> to vector<128x1024xf32>
    %mul3A_62 = arith.mulf %dot_general3A_11, %mul3A_61 : vector<128x1024xf32>
    %add3A_63 = vector.broadcast %slice3A_59 : vector<128x1xf32> to vector<128x1024xf32>
    %add3A_64 = arith.addf %add3A_63, %mul3A_62 : vector<128x1024xf32>
    %slice3A_65 = vector.extract_strided_slice %get3A_10 {offsets = [4, 0], sizes = [1, 1024], strides = [1, 1]} : vector<16x1024xf32> to vector<1x1024xf32>
    %mul3A_66 = vector.broadcast %slice3A_65 : vector<1x1024xf32> to vector<128x1024xf32>
    %mul3A_67 = arith.mulf %dot_general3A_13, %mul3A_66 : vector<128x1024xf32>
    %sub3A_68 = arith.subf %add3A_64, %mul3A_67 : vector<128x1024xf32>
    %abs3A_69 = math.absf %sub3A_68 : vector<128x1024xf32>
    %add3A_70 = arith.addf %add3A_58, %abs3A_69 : vector<128x1024xf32>
    %slice3A_71 = vector.extract_strided_slice %sub3A {offsets = [0, 5], sizes = [128, 1], strides = [1, 1]} : vector<128x16xf32> to vector<128x1xf32>
    %slice3A_72 = vector.extract_strided_slice %get3A_7 {offsets = [5, 0], sizes = [1, 1024], strides = [1, 1]} : vector<16x1024xf32> to vector<1x1024xf32>
    %mul3A_73 = vector.broadcast %slice3A_72 : vector<1x1024xf32> to vector<128x1024xf32>
    %mul3A_74 = arith.mulf %dot_general3A_11, %mul3A_73 : vector<128x1024xf32>
    %add3A_75 = vector.broadcast %slice3A_71 : vector<128x1xf32> to vector<128x1024xf32>
    %add3A_76 = arith.addf %add3A_75, %mul3A_74 : vector<128x1024xf32>
    %slice3A_77 = vector.extract_strided_slice %get3A_10 {offsets = [5, 0], sizes = [1, 1024], strides = [1, 1]} : vector<16x1024xf32> to vector<1x1024xf32>
    %mul3A_78 = vector.broadcast %slice3A_77 : vector<1x1024xf32> to vector<128x1024xf32>
    %mul3A_79 = arith.mulf %dot_general3A_13, %mul3A_78 : vector<128x1024xf32>
    %sub3A_80 = arith.subf %add3A_76, %mul3A_79 : vector<128x1024xf32>
    %abs3A_81 = math.absf %sub3A_80 : vector<128x1024xf32>
    %add3A_82 = arith.addf %add3A_70, %abs3A_81 : vector<128x1024xf32>
    %slice3A_83 = vector.extract_strided_slice %sub3A {offsets = [0, 6], sizes = [128, 1], strides = [1, 1]} : vector<128x16xf32> to vector<128x1xf32>
    %slice3A_84 = vector.extract_strided_slice %get3A_7 {offsets = [6, 0], sizes = [1, 1024], strides = [1, 1]} : vector<16x1024xf32> to vector<1x1024xf32>
    %mul3A_85 = vector.broadcast %slice3A_84 : vector<1x1024xf32> to vector<128x1024xf32>
    %mul3A_86 = arith.mulf %dot_general3A_11, %mul3A_85 : vector<128x1024xf32>
    %add3A_87 = vector.broadcast %slice3A_83 : vector<128x1xf32> to vector<128x1024xf32>
    %add3A_88 = arith.addf %add3A_87, %mul3A_86 : vector<128x1024xf32>
    %slice3A_89 = vector.extract_strided_slice %get3A_10 {offsets = [6, 0], sizes = [1, 1024], strides = [1, 1]} : vector<16x1024xf32> to vector<1x1024xf32>
    %mul3A_90 = vector.broadcast %slice3A_89 : vector<1x1024xf32> to vector<128x1024xf32>
    %mul3A_91 = arith.mulf %dot_general3A_13, %mul3A_90 : vector<128x1024xf32>
    %sub3A_92 = arith.subf %add3A_88, %mul3A_91 : vector<128x1024xf32>
    %abs3A_93 = math.absf %sub3A_92 : vector<128x1024xf32>
    %add3A_94 = arith.addf %add3A_82, %abs3A_93 : vector<128x1024xf32>
    %slice3A_95 = vector.extract_strided_slice %sub3A {offsets = [0, 7], sizes = [128, 1], strides = [1, 1]} : vector<128x16xf32> to vector<128x1xf32>
    %slice3A_96 = vector.extract_strided_slice %get3A_7 {offsets = [7, 0], sizes = [1, 1024], strides = [1, 1]} : vector<16x1024xf32> to vector<1x1024xf32>
    %mul3A_97 = vector.broadcast %slice3A_96 : vector<1x1024xf32> to vector<128x1024xf32>
    %mul3A_98 = arith.mulf %dot_general3A_11, %mul3A_97 : vector<128x1024xf32>
    %add3A_99 = vector.broadcast %slice3A_95 : vector<128x1xf32> to vector<128x1024xf32>
    %add3A_100 = arith.addf %add3A_99, %mul3A_98 : vector<128x1024xf32>
    %slice3A_101 = vector.extract_strided_slice %get3A_10 {offsets = [7, 0], sizes = [1, 1024], strides = [1, 1]} : vector<16x1024xf32> to vector<1x1024xf32>
    %mul3A_102 = vector.broadcast %slice3A_101 : vector<1x1024xf32> to vector<128x1024xf32>
    %mul3A_103 = arith.mulf %dot_general3A_13, %mul3A_102 : vector<128x1024xf32>
    %sub3A_104 = arith.subf %add3A_100, %mul3A_103 : vector<128x1024xf32>
    %abs3A_105 = math.absf %sub3A_104 : vector<128x1024xf32>
    %add3A_106 = arith.addf %add3A_94, %abs3A_105 : vector<128x1024xf32>
    %slice3A_107 = vector.extract_strided_slice %sub3A {offsets = [0, 8], sizes = [128, 1], strides = [1, 1]} : vector<128x16xf32> to vector<128x1xf32>
    %slice3A_108 = vector.extract_strided_slice %get3A_7 {offsets = [8, 0], sizes = [1, 1024], strides = [1, 1]} : vector<16x1024xf32> to vector<1x1024xf32>
    %mul3A_109 = vector.broadcast %slice3A_108 : vector<1x1024xf32> to vector<128x1024xf32>
    %mul3A_110 = arith.mulf %dot_general3A_11, %mul3A_109 : vector<128x1024xf32>
    %add3A_111 = vector.broadcast %slice3A_107 : vector<128x1xf32> to vector<128x1024xf32>
    %add3A_112 = arith.addf %add3A_111, %mul3A_110 : vector<128x1024xf32>
    %slice3A_113 = vector.extract_strided_slice %get3A_10 {offsets = [8, 0], sizes = [1, 1024], strides = [1, 1]} : vector<16x1024xf32> to vector<1x1024xf32>
    %mul3A_114 = vector.broadcast %slice3A_113 : vector<1x1024xf32> to vector<128x1024xf32>
    %mul3A_115 = arith.mulf %dot_general3A_13, %mul3A_114 : vector<128x1024xf32>
    %sub3A_116 = arith.subf %add3A_112, %mul3A_115 : vector<128x1024xf32>
    %abs3A_117 = math.absf %sub3A_116 : vector<128x1024xf32>
    %add3A_118 = arith.addf %add3A_106, %abs3A_117 : vector<128x1024xf32>
    %slice3A_119 = vector.extract_strided_slice %sub3A {offsets = [0, 9], sizes = [128, 1], strides = [1, 1]} : vector<128x16xf32> to vector<128x1xf32>
    %slice3A_120 = vector.extract_strided_slice %get3A_7 {offsets = [9, 0], sizes = [1, 1024], strides = [1, 1]} : vector<16x1024xf32> to vector<1x1024xf32>
    %mul3A_121 = vector.broadcast %slice3A_120 : vector<1x1024xf32> to vector<128x1024xf32>
    %mul3A_122 = arith.mulf %dot_general3A_11, %mul3A_121 : vector<128x1024xf32>
    %add3A_123 = vector.broadcast %slice3A_119 : vector<128x1xf32> to vector<128x1024xf32>
    %add3A_124 = arith.addf %add3A_123, %mul3A_122 : vector<128x1024xf32>
    %slice3A_125 = vector.extract_strided_slice %get3A_10 {offsets = [9, 0], sizes = [1, 1024], strides = [1, 1]} : vector<16x1024xf32> to vector<1x1024xf32>
    %mul3A_126 = vector.broadcast %slice3A_125 : vector<1x1024xf32> to vector<128x1024xf32>
    %mul3A_127 = arith.mulf %dot_general3A_13, %mul3A_126 : vector<128x1024xf32>
    %sub3A_128 = arith.subf %add3A_124, %mul3A_127 : vector<128x1024xf32>
    %abs3A_129 = math.absf %sub3A_128 : vector<128x1024xf32>
    %add3A_130 = arith.addf %add3A_118, %abs3A_129 : vector<128x1024xf32>
    %slice3A_131 = vector.extract_strided_slice %sub3A {offsets = [0, 10], sizes = [128, 1], strides = [1, 1]} : vector<128x16xf32> to vector<128x1xf32>
    %slice3A_132 = vector.extract_strided_slice %get3A_7 {offsets = [10, 0], sizes = [1, 1024], strides = [1, 1]} : vector<16x1024xf32> to vector<1x1024xf32>
    %mul3A_133 = vector.broadcast %slice3A_132 : vector<1x1024xf32> to vector<128x1024xf32>
    %mul3A_134 = arith.mulf %dot_general3A_11, %mul3A_133 : vector<128x1024xf32>
    %add3A_135 = vector.broadcast %slice3A_131 : vector<128x1xf32> to vector<128x1024xf32>
    %add3A_136 = arith.addf %add3A_135, %mul3A_134 : vector<128x1024xf32>
    %slice3A_137 = vector.extract_strided_slice %get3A_10 {offsets = [10, 0], sizes = [1, 1024], strides = [1, 1]} : vector<16x1024xf32> to vector<1x1024xf32>
    %mul3A_138 = vector.broadcast %slice3A_137 : vector<1x1024xf32> to vector<128x1024xf32>
    %mul3A_139 = arith.mulf %dot_general3A_13, %mul3A_138 : vector<128x1024xf32>
    %sub3A_140 = arith.subf %add3A_136, %mul3A_139 : vector<128x1024xf32>
    %abs3A_141 = math.absf %sub3A_140 : vector<128x1024xf32>
    %add3A_142 = arith.addf %add3A_130, %abs3A_141 : vector<128x1024xf32>
    %slice3A_143 = vector.extract_strided_slice %sub3A {offsets = [0, 11], sizes = [128, 1], strides = [1, 1]} : vector<128x16xf32> to vector<128x1xf32>
    %slice3A_144 = vector.extract_strided_slice %get3A_7 {offsets = [11, 0], sizes = [1, 1024], strides = [1, 1]} : vector<16x1024xf32> to vector<1x1024xf32>
    %mul3A_145 = vector.broadcast %slice3A_144 : vector<1x1024xf32> to vector<128x1024xf32>
    %mul3A_146 = arith.mulf %dot_general3A_11, %mul3A_145 : vector<128x1024xf32>
    %add3A_147 = vector.broadcast %slice3A_143 : vector<128x1xf32> to vector<128x1024xf32>
    %add3A_148 = arith.addf %add3A_147, %mul3A_146 : vector<128x1024xf32>
    %slice3A_149 = vector.extract_strided_slice %get3A_10 {offsets = [11, 0], sizes = [1, 1024], strides = [1, 1]} : vector<16x1024xf32> to vector<1x1024xf32>
    %mul3A_150 = vector.broadcast %slice3A_149 : vector<1x1024xf32> to vector<128x1024xf32>
    %mul3A_151 = arith.mulf %dot_general3A_13, %mul3A_150 : vector<128x1024xf32>
    %sub3A_152 = arith.subf %add3A_148, %mul3A_151 : vector<128x1024xf32>
    %abs3A_153 = math.absf %sub3A_152 : vector<128x1024xf32>
    %add3A_154 = arith.addf %add3A_142, %abs3A_153 : vector<128x1024xf32>
    %slice3A_155 = vector.extract_strided_slice %sub3A {offsets = [0, 12], sizes = [128, 1], strides = [1, 1]} : vector<128x16xf32> to vector<128x1xf32>
    %slice3A_156 = vector.extract_strided_slice %get3A_7 {offsets = [12, 0], sizes = [1, 1024], strides = [1, 1]} : vector<16x1024xf32> to vector<1x1024xf32>
    %mul3A_157 = vector.broadcast %slice3A_156 : vector<1x1024xf32> to vector<128x1024xf32>
    %mul3A_158 = arith.mulf %dot_general3A_11, %mul3A_157 : vector<128x1024xf32>
    %add3A_159 = vector.broadcast %slice3A_155 : vector<128x1xf32> to vector<128x1024xf32>
    %add3A_160 = arith.addf %add3A_159, %mul3A_158 : vector<128x1024xf32>
    %slice3A_161 = vector.extract_strided_slice %get3A_10 {offsets = [12, 0], sizes = [1, 1024], strides = [1, 1]} : vector<16x1024xf32> to vector<1x1024xf32>
    %mul3A_162 = vector.broadcast %slice3A_161 : vector<1x1024xf32> to vector<128x1024xf32>
    %mul3A_163 = arith.mulf %dot_general3A_13, %mul3A_162 : vector<128x1024xf32>
    %sub3A_164 = arith.subf %add3A_160, %mul3A_163 : vector<128x1024xf32>
    %abs3A_165 = math.absf %sub3A_164 : vector<128x1024xf32>
    %add3A_166 = arith.addf %add3A_154, %abs3A_165 : vector<128x1024xf32>
    %slice3A_167 = vector.extract_strided_slice %sub3A {offsets = [0, 13], sizes = [128, 1], strides = [1, 1]} : vector<128x16xf32> to vector<128x1xf32>
    %slice3A_168 = vector.extract_strided_slice %get3A_7 {offsets = [13, 0], sizes = [1, 1024], strides = [1, 1]} : vector<16x1024xf32> to vector<1x1024xf32>
    %mul3A_169 = vector.broadcast %slice3A_168 : vector<1x1024xf32> to vector<128x1024xf32>
    %mul3A_170 = arith.mulf %dot_general3A_11, %mul3A_169 : vector<128x1024xf32>
    %add3A_171 = vector.broadcast %slice3A_167 : vector<128x1xf32> to vector<128x1024xf32>
    %add3A_172 = arith.addf %add3A_171, %mul3A_170 : vector<128x1024xf32>
    %slice3A_173 = vector.extract_strided_slice %get3A_10 {offsets = [13, 0], sizes = [1, 1024], strides = [1, 1]} : vector<16x1024xf32> to vector<1x1024xf32>
    %mul3A_174 = vector.broadcast %slice3A_173 : vector<1x1024xf32> to vector<128x1024xf32>
    %mul3A_175 = arith.mulf %dot_general3A_13, %mul3A_174 : vector<128x1024xf32>
    %sub3A_176 = arith.subf %add3A_172, %mul3A_175 : vector<128x1024xf32>
    %abs3A_177 = math.absf %sub3A_176 : vector<128x1024xf32>
    %add3A_178 = arith.addf %add3A_166, %abs3A_177 : vector<128x1024xf32>
    %slice3A_179 = vector.extract_strided_slice %sub3A {offsets = [0, 14], sizes = [128, 1], strides = [1, 1]} : vector<128x16xf32> to vector<128x1xf32>
    %slice3A_180 = vector.extract_strided_slice %get3A_7 {offsets = [14, 0], sizes = [1, 1024], strides = [1, 1]} : vector<16x1024xf32> to vector<1x1024xf32>
    %mul3A_181 = vector.broadcast %slice3A_180 : vector<1x1024xf32> to vector<128x1024xf32>
    %mul3A_182 = arith.mulf %dot_general3A_11, %mul3A_181 : vector<128x1024xf32>
    %add3A_183 = vector.broadcast %slice3A_179 : vector<128x1xf32> to vector<128x1024xf32>
    %add3A_184 = arith.addf %add3A_183, %mul3A_182 : vector<128x1024xf32>
    %slice3A_185 = vector.extract_strided_slice %get3A_10 {offsets = [14, 0], sizes = [1, 1024], strides = [1, 1]} : vector<16x1024xf32> to vector<1x1024xf32>
    %mul3A_186 = vector.broadcast %slice3A_185 : vector<1x1024xf32> to vector<128x1024xf32>
    %mul3A_187 = arith.mulf %dot_general3A_13, %mul3A_186 : vector<128x1024xf32>
    %sub3A_188 = arith.subf %add3A_184, %mul3A_187 : vector<128x1024xf32>
    %abs3A_189 = math.absf %sub3A_188 : vector<128x1024xf32>
    %add3A_190 = arith.addf %add3A_178, %abs3A_189 : vector<128x1024xf32>
    %slice3A_191 = vector.extract_strided_slice %sub3A {offsets = [0, 15], sizes = [128, 1], strides = [1, 1]} : vector<128x16xf32> to vector<128x1xf32>
    %slice3A_192 = vector.extract_strided_slice %get3A_7 {offsets = [15, 0], sizes = [1, 1024], strides = [1, 1]} : vector<16x1024xf32> to vector<1x1024xf32>
    %mul3A_193 = vector.broadcast %slice3A_192 : vector<1x1024xf32> to vector<128x1024xf32>
    %mul3A_194 = arith.mulf %dot_general3A_11, %mul3A_193 : vector<128x1024xf32>
    %add3A_195 = vector.broadcast %slice3A_191 : vector<128x1xf32> to vector<128x1024xf32>
    %add3A_196 = arith.addf %add3A_195, %mul3A_194 : vector<128x1024xf32>
    %slice3A_197 = vector.extract_strided_slice %get3A_10 {offsets = [15, 0], sizes = [1, 1024], strides = [1, 1]} : vector<16x1024xf32> to vector<1x1024xf32>
    %mul3A_198 = vector.broadcast %slice3A_197 : vector<1x1024xf32> to vector<128x1024xf32>
    %mul3A_199 = arith.mulf %dot_general3A_13, %mul3A_198 : vector<128x1024xf32>
    %sub3A_200 = arith.subf %add3A_196, %mul3A_199 : vector<128x1024xf32>
    %abs3A_201 = math.absf %sub3A_200 : vector<128x1024xf32>
    %add3A_202 = arith.addf %add3A_190, %abs3A_201 : vector<128x1024xf32>
    %swap3A = arith.constant 0 : index
    %swap3A_203 = arith.constant 0 : index
    %swap3A_204 = vector.load %arg5[%swap3A, %swap3A_203] : memref<128x1024xf32, #tpu.memory_space<vmem>>, vector<128x1024xf32>
    tpu.vector_store %arg5[%swap3A, %swap3A_203], %add3A_202 {strides = array<i32>} : memref<128x1024xf32, #tpu.memory_space<vmem>>, vector<128x1024xf32>,
    return
  }
  func.func @transform_0(%arg0: i32) -> (i32, i32) {
    %c0_i32 = arith.constant 0 : i32
    %c0_i32_0 = arith.constant 0 : i32
    return %arg0, %c0_i32 : i32, i32
  }
  func.func @transform_1(%arg0: i32) -> (i32, i32) {
    %c0_i32 = arith.constant 0 : i32
    %c0_i32_0 = arith.constant 0 : i32
    return %arg0, %c0_i32 : i32, i32
  }
  func.func @transform_2(%arg0: i32) -> (i32, i32) {
    %c0_i32 = arith.constant 0 : i32
    %c0_i32_0 = arith.constant 0 : i32
    %c0_i32_1 = arith.constant 0 : i32
    return %c0_i32, %c0_i32_0 : i32, i32
  }
  func.func @transform_3(%arg0: i32) -> (i32, i32) {
    %c0_i32 = arith.constant 0 : i32
    %c0_i32_0 = arith.constant 0 : i32
    %c0_i32_1 = arith.constant 0 : i32
    return %c0_i32, %c0_i32_0 : i32, i32
  }
  func.func @transform_4(%arg0: i32) -> (i32, i32) {
    %c0_i32 = arith.constant 0 : i32
    %c0_i32_0 = arith.constant 0 : i32
    return %arg0, %c0_i32 : i32, i32
  }
}

</mosaic_0001>

<sc_bundles>
// kernel: kernel.4.cloned.1.call-start
scs
__scs_entry_jumppad:
0x0: {  	(pc) =	sbr.rel $0x88, $3  }
0x1: {  	(tag) =	ssettag $0x0;
	lr =	simm.s32 $0x1  }
0x2: {  	[smem:$0x3F9B] =	sst lr;
	_ =	strace $0xD0000000  }
0x3: {  	_ = 	snop  }
0x4: {  	_ = 	snop  }
0x5: {  	_ = 	snop  }
0x6: {  	_ = 	snop  }
0x7: {  	_ = 	snop  }
__scs_overlays_trampoline_lowered:
0x8: {  	[smem:$0x3FAA] =	sst s0  }
0x9: {  	[smem:$0x3FAB] =	sst s1  }
0xa: {  	[smem:$0x3FAC] =	sst s2  }
0xb: {  	[smem:$0x3FAD] =	sst s3  }
0xc: {  	[smem:$0x3FAE] =	sst s4  }
0xd: {  	[smem:$0x3FAF] =	sst s5  }
0xe: {  	[smem:$0x3FB0] =	sst s6  }
0xf: {  	[smem:$0x3FB1] =	sst s7  }
0x10: {  	[smem:$0x3FB2] =	sst s8  }
0x11: {  	[smem:$0x3FB3] =	sst s9;
	s0 =	simm.s32 @!p0 $0x0  }
0x12: {  	s1 =	sld [smem:$0x3F99];
	s0 =	simm.s32 @p0 $0x1  }
0x13: {  	[smem:$0x3FB4] =	sst s0;
	s0 =	simm.s32 @!p1 $0x0  }
0x14: {  	s2 =	sld [smem:$0x3F98];
	s0 =	simm.s32 @p1 $0x1  }
0x15: {  	[smem:$0x3FB5] =	sst s0;
	s0 =	simm.s32 @!p2 $0x0  }
0x16: {  	s3 =	sld [smem:$0x3FDB];
	s0 =	simm.s32 @p2 $0x1  }
0x17: {  	s4 =	simm.s32 $0x1BF5;
	[smem:$0x3FB7] =	sst s0  }
0x18: {  	s0 =	sld [smem:$0x3F9A];
	_ =	swait.ge [sflag:s4], $0x0  }
0x19: {  	s7 =	sld [smem:$0x3F9B]  }
0x1a: {  	s8 =	sadd.s32 $0xFFFFE003, lr  }
0x1b: {  	s9 =	sadd.s32 $0xFFFFFEF7, lr;
	s5 =	simm.s32 $0xFFFFFFFF;
	p2 =	slt.u32 s8, $0xFFFFF086  }
0x1c: {  	p1 =	slt.u32 s9, $0xF7A;
	s5 =	simm.s32 @!p2 $0x0  }
0x1d: {  	s5 =	simm.s32 @p1 $0x1;
	p0 =	seq.s32 s7, s2  }
0x1e: {  	s7 =	smul.u32 @!p0 $0xF7A, s2;
	p2 =	seq.s32 @!p0 s5, $0x0  }
0x1f: {  	s9 =	smul.u32 $0xF7A, s1;
	s8 =	simm.s32 @!p0 $0x1BF5;
	p2 =	por !p2, p0  }
0x20: {  	[sflag:s8] =	ssyncset.s32 @!p0 $0xFFFFF086;
	s6 =	sadd.s32 @!p0 s3, s7;
	s7 =	simm.s32 @!p0 $0x108  }
0x21: {  	s3 =	sadd.s32 s3, s9;
	s6 =	sadd.s32 @!p0 $0x88, s6;
	s7 =	simm.s32 @p2 $0x1082  }
0x22: {  	[simem:s7], [sflag:s8] =	dma.local @!p0 [hbm:s6], $0xF7A  }
0x23: {  	s9 =	sor.u32 $0xD0000000, s2;
	s6 =	simm.s32 $0x108;
	_ =	swait.ge @!p0 [sflag:s8], $0x0  }
0x24: {  	s3 =	sadd.s32 $0x88, s3;
	s6 =	simm.s32 @!p1 $0x1082;
	[sflag:s4] =	ssyncset.s32 $0xFFFFF086  }
0x25: {  	[simem:s6], [sflag:s4] =	dma.local [hbm:s3], $0xF7A  }
0x26: {  	[smem:$0x3F9B] =	sst s1;
	(tag) =	ssettag s2;
	_ =	strace s9  }
0x27: {  	s1 =	sld [smem:$0x3FAB]  }
0x28: {  	s2 =	sld [smem:$0x3FAC]  }
0x29: {  	s4 =	sld [smem:$0x3FAE]  }
0x2a: {  	p0 =	seq.s32 s5, $0x0;
	s5 =	sld [smem:$0x3FAF]  }
0x2b: {  	s6 =	sld [smem:$0x3FB0]  }
0x2c: {  	s7 =	sld [smem:$0x3FB1]  }
0x2d: {  	s3 =	simm.s32 $0x108;
	s8 =	sld [smem:$0x3FB2]  }
0x2e: {  	s3 =	simm.s32 @!p0 $0x1082;
	s9 =	sld [smem:$0x3FB3]  }
0x2f: {  	lr =	sadd.s32 s0, s3;
	s0 =	sld [smem:$0x3FAA]  }
0x30: {  	s3 =	sld [smem:$0x3FAD]  }
0x31: {  	[smem:$0x3FB6] =	sst s10  }
0x32: {  	s10 =	sld [smem:$0x3FB4];
	_ =	sdelay $0x3  }
0x33: {  	p0 =	seq.s32 s10, $0x1;
	s10 =	sld [smem:$0x3FB6];
	_ =	sdelay $0x3  }
0x34: {  	[smem:$0x3FB6] =	sst s10  }
0x35: {  	s10 =	sld [smem:$0x3FB5];
	_ =	sdelay $0x3  }
0x36: {  	p1 =	seq.s32 s10, $0x1;
	s10 =	sld [smem:$0x3FB6];
	_ =	sdelay $0x3  }
0x37: {  	[smem:$0x3FB6] =	sst s10  }
0x38: {  	s10 =	sld [smem:$0x3FB7]  }
0x39: {  	_ = 	snop;
	(pc) =	sbr.ind lr, $3  }
0x3a: {  	_ = 	snop  }
0x3b: {  	_ = 	snop  }
0x3c: {  	p2 =	seq.s32 s10, $0x1;
	s10 =	sld [smem:$0x3FB6]  }
0x3d: {  	_ =	shalt  }
0x3e: {  	_ =	shalt  }
0x3f: {  	_ =	shalt  }
0x40: {  	_ =	shalt  }
0x41: {  	_ =	shalt  }
0x42: {  	_ =	shalt  }
0x43: {  	_ =	shalt  }
0x44: {  	_ =	shalt  }
0x45: {  	_ =	shalt  }
0x46: {  	_ =	shalt  }
0x47: {  	_ =	shalt  }
0x48: {  	_ =	shalt  }
0x49: {  	_ =	shalt  }
0x4a: {  	_ =	shalt  }
0x4b: {  	_ =	shalt  }
0x4c: {  	_ =	shalt  }
0x4d: {  	_ =	shalt  }
0x4e: {  	_ =	shalt  }
0x4f: {  	_ =	shalt  }
0x50: {  	_ =	shalt  }
0x51: {  	_ =	shalt  }
0x52: {  	_ =	shalt  }
0x53: {  	_ =	shalt  }
0x54: {  	_ =	shalt  }
0x55: {  	_ =	shalt  }
0x56: {  	_ =	shalt  }
0x57: {  	_ =	shalt  }
0x58: {  	_ =	shalt  }
0x59: {  	_ =	shalt  }
0x5a: {  	_ =	shalt  }
0x5b: {  	_ =	shalt  }
0x5c: {  	_ =	shalt  }
0x5d: {  	_ =	shalt  }
0x5e: {  	_ =	shalt  }
0x5f: {  	_ =	shalt  }
0x60: {  	_ =	shalt  }
0x61: {  	_ =	shalt  }
0x62: {  	_ =	shalt  }
0x63: {  	_ =	shalt  }
0x64: {  	_ =	shalt  }
0x65: {  	_ =	shalt  }
0x66: {  	_ =	shalt  }
0x67: {  	_ =	shalt  }
0x68: {  	_ =	shalt  }
0x69: {  	_ =	shalt  }
0x6a: {  	_ =	shalt  }
0x6b: {  	_ =	shalt  }
0x6c: {  	_ =	shalt  }
0x6d: {  	_ =	shalt  }
0x6e: {  	_ =	shalt  }
0x6f: {  	_ =	shalt  }
0x70: {  	_ =	shalt  }
0x71: {  	_ =	shalt  }
0x72: {  	_ =	shalt  }
0x73: {  	_ =	shalt  }
0x74: {  	_ =	shalt  }
0x75: {  	_ =	shalt  }
0x76: {  	_ =	shalt  }
0x77: {  	_ =	shalt  }
0x78: {  	_ =	shalt  }
0x79: {  	_ =	shalt  }
0x7a: {  	_ =	shalt  }
0x7b: {  	_ =	shalt  }
0x7c: {  	_ =	shalt  }
0x7d: {  	_ =	shalt  }
0x7e: {  	_ =	shalt  }
0x7f: {  	_ =	shalt  }
0x80: {  	_ =	shalt  }
0x81: {  	_ =	shalt  }
0x82: {  	_ =	shalt  }
0x83: {  	_ =	shalt  }
0x84: {  	_ =	shalt  }
0x85: {  	_ =	shalt  }
0x86: {  	_ =	shalt  }
0x87: {  	_ =	shalt  }
.Lfunc_end0:
.L_simem_size_0:
called_computation_lowered:
.L_overlay_start_0:
0x88: {  	s2 =	sld [smem:$0x3FD9]  }
0x89: {  	s3 =	sld [smem:$0x3FFE];
	_ =	sdelay $0x1  }
0x8a: {  	s1 =	srdreg.scid  }
0x8b: {  	s0 =	sand.u32 $0x1, s1  }
0x8c: {  	s17 =	sshll.u32 s0, $0xA;
	s2 =	sadd.s32 s3, s2  }
0x8d: {  	s2 =	sadd.s32 s2, s17  }
0x8e: {  	[smem:$0x3FC2] =	sst s2  }
0x8f: {  	_ = 	snop  }
0x90: {  	s2 =	sld [smem:$0x3FC9]  }
0x91: {  	s18 =	sld [smem:$0x3FC8]  }
0x92: {  	s4 =	sld [smem:$0x3FD0];
	(tm) =	ssettm $0x1  }
0x93: {  	s5 =	sld [smem:$0x3FFB];
	_ =	sdelay $0x3  }
0x94: {  	_ =	strace s5  }
0x95: {  	s5 =	sld [smem:$0x3FFC];
	_ =	sdelay $0x3  }
0x96: {  	_ =	strace s5  }
0x97: {  	s5 =	sld [smem:$0x3FFD];
	_ =	sdelay $0x3  }
0x98: {  	_ =	strace s5  }
0x99: {  	_ =	strace $0x8FFFFFFF  }
0x9a: {  	s19 =	sld [smem:$0x3FDB];
	_ =	sdelay $0x1  }
0x9b: {  	s6 =	simm.s32 $_scs_section_size  }
0x9c: {  	s7 =	simm.s32 $_size__tile_overlayer_lowered;
	s8 =	simm.s32 $_tile_overlayer_lowered  }
0x9d: {  	s22 =	simm.s32 $0x1BFF;
	s21 =	sshll.u32 s8, $0x1;
	s5 =	sadd.s32 s6, s19  }
0x9e: {  	s9 =	simm.s32 $0x0;
	s20 =	sshll.u32 s7, $0x1;
	s7 =	sadd.s32 s21, s5  }
0x9f: {  	[timem:s9], [sflag:s22] =	dma.local [hbm:s7], s20  }
0xa0: {  	_ =	swait.ge [sflag:s22], s20  }
0xa1: {  	s6 =	ssub.s32 $0x0, s20;
	[sflag:s22] =	ssyncset.done $0x0  }
0xa2: {  	[sflag:s22] =	ssyncadd.s32 s6;
	_ =	sdelay $0x1  }
0xa3: {  	s23 =	simm.s32 $0x1B8B  }
0xa4: {  	_ =	swait.ge [sflag:s23], $0x1  }
0xa5: {  	[sflag:s23] =	ssyncset.done $0x0  }
0xa6: {  	s25 =	simm.s32 $0x1B8E;
	s24 =	sld [smem:$0x3FFE];
	[sflag:s23] =	ssyncadd.s32 $0xFFFFFFFF  }
0xa7: {  	s26 =	simm.s32 $execute0_lowered;
	[smem:$0x3FD2] =	sst s25  }
0xa8: {  	s7 =	sshll.u32 s26, $0x1;
	_ =	strace $0x80000046;
	[dreg:$0x1] =	wrdreg $0xFFFFFFFF  }
0xa9: {  	s28 =	simm.s32 $_size_execute0_lowered;
	s5 =	sadd.s32 s5, s7;
	[dreg:$0x0] =	wrdreg $0x0  }
0xaa: {  	s7 =	sshll.u32 s28, $0x1;
	[dreg:$0x2] =	wrdreg s5  }
0xab: {  	[dreg:$0x3] =	wrdreg s7  }
0xac: {  	[dreg:$0x4] =	wrdreg $0xC0  }
0xad: {  	_ =	task [dreg:s9], $0x5FFFF  }
0xae: {  	[dreg:$0x1] =	wrdreg $0xFFFFFFFF  }
0xaf: {  	[dreg:$0x0] =	wrdreg $0x60  }
0xb0: {  	[dreg:$0x2] =	wrdreg s2  }
0xb1: {  	[dreg:$0x3] =	wrdreg s18  }
0xb2: {  	[dreg:$0x4] =	wrdreg s24  }
0xb3: {  	[dreg:$0x5] =	wrdreg s4  }
0xb4: {  	[dreg:$0x6] =	wrdreg $0x9  }
0xb5: {  	_ =	task.clear_ibuf [dreg:s9], $0x7FFFF;
	_ =	strace $0x90000046  }
0xb6: {  	s29 =	simm.s32 $0x9;
	_ =	strace $0x80000048  }
0xb7: {  	_ =	swait.ge [sflag:s29], $0x1  }
0xb8: {  	[sflag:s29] =	ssyncadd.s32 $0xFFFFFFFF  }
0xb9: {  	_ =	strace $0x90000048  }
0xba: {  	_ =	sfence  }
0xbb: {  	s30 =	sld [smem:$0x0];
	_ =	sdelay $0x2  }
0xbc: {  	s31 =	sshll.u32 s1, $0xD;
	s1 =	sshrl.u32 s1, $0x2  }
0xbd: {  	s3 =	sand.u32 $0x4000, s31;
	s1 =	sadd.s32 s1, s30  }
0xbe: {  	s0 =	sor.u32 s3, s0;
	s1 =	sshll.u32 s1, $0x11  }
0xbf: {  	s0 =	sor.u32 s1, s0  }
0xc0: {  	s0 =	sadd.s32 $0x8F2B, s0  }
0xc1: {  	[sflag:s0] =	ssyncadd.remote.s32 $0x1  }
0xc2: {  	_ =	sfence.sel $0xFFFF  }
0xc3: {  	[dreg:$0x0] =	wrdreg $0xFFFFFFFF;
	(pc) =	sbr.abs _section_cstart, $3  }
0xc4: {  	[dreg:$0x1] =	wrdreg $0xFFFFFFFF  }
0xc5: {  	_ =	task.clear_ibuf [dreg:s9], $0x2FFFF;
	_ =	strace $0x9FFFFFFF  }
0xc6: {  	(tm) =	ssettm $0x7FFFFFFF  }
0xc7: {  	_ =	shalt  }
tec
execute0_lowered:
.L_overlay_start_1:
0x0: {  	(tag) =	ssettag $0x1  }
0x1: {  	s7 =	rddreg [dreg:$0x0]  }
0x2: {  	s8 =	rddreg [dreg:$0x1]  }
0x3: {  	s9 =	rddreg [dreg:$0x2]  }
0x4: {  	s10 =	rddreg [dreg:$0x3]  }
0x5: {  	s0 =	rddreg [dreg:$0x4]  }
0x6: {  	s2 =	simm.s32 $0x0;
	s3 =	srdreg.scid;
	s1 =	stileid.u32  }
0x7: {  	s16 =	simm.s32 $0x100;
	s17 =	simm.s32 $0x1100;
	s18 =	simm.s32 $0x2100  }
0x8: {  	s19 =	simm.s32 $0x3100;
	s20 =	simm.s32 $0x0;
	[smem:$0x7FF] =	sst s2  }
0x9: {  	s11 =	sand.u32 $0x1, s3;
	s3 =	sadd.s32 $0x8C00, s9;
	s6 =	sshll.u32 s1, $0x6  }
0xa: {  	s4 =	sadd.s32 $0xC00, s9;
	s5 =	sadd.s32 $0xF4B000, s9;
	s12 =	sshll.u32 s11, $0x5  }
0xb: {  	_ =	strace $0x80000047;
	s11 =	ssub.s32 $0x2, s11;
	s12 =	sor.u32 s12, s6  }
0xc: {  	s6 =	sadd.s32 $0x4C00, s9;
	s31 =	sshrl.u32 s11, $0x1;
	s13 =	sshll.u32 s12, $0x4  }
0xd: {  	s12 =	sshrl.u32 s12, $0x3;
	s15 =	ssub.s32 s11, s31;
	s14 =	sadd.s32 s13, s9  }
0xe: {  	s7 =	sadd.s32 s7, s12;
	s8 =	sadd.s32 s8, s12;
	s9 =	sadd.s32 s10, s13  }
0xf: {  	s13 =	smax.u32 s15, $0x1;
	s15 =	simm.s32 $0x1;
	s10 =	sadd.s32 $0x1E95400, s14  }
0x10: {  	s11 =	sadd.s32 $0x1E8D400, s14;
	s12 =	sadd.s32 $0x1E91400, s14;
	s14 =	simm.s32 $0x2  }
.LBB2_1:
0x11: {  	[tilespmem:s2], [sflag:$0x2] =	stream.linear.gather [hbm4b:s7+s2], $0x20, $0x38;
	[tilespmem:$0x4100] =	vst v63  }
0x12: {  	_ =	swait.ge [sflag:s14], $0x20  }
0x13: {  	[sflag:s14] =	ssyncset.done $0x0  }
0x14: {  	s21 =	simm.s32 $0x80;
	[sflag:s14] =	ssyncadd.s32 $0xFFFFFFE0  }
0x15: {  	[tilespmem:s21], [sflag:$0x2] =	stream.linear.gather [hbm4b:s8+s2], $0x20, $0x38;
	[tilespmem:$0x4100] =	vst v63  }
0x16: {  	_ =	swait.ge [sflag:s14], $0x20  }
0x17: {  	[sflag:s14] =	ssyncset.done $0x0  }
0x18: {  	[sflag:s14] =	ssyncadd.s32 $0xFFFFFFE0  }
0x19: {  	s22 =	simm.s32 $0x200;
	s24 =	simm.s32 $0x0;
	s23 =	simm.s32 $0x0;
	v0 =	vld [tilespmem:s2+$0x0]  }
.LBB2_2:
0x1a: {  	p0 =	sne.s32 s22, $0x3E00;
	v1 =	vld [tilespmem:s21+$0x0];
	_ =	sdelay $0x3  }
0x1b: {  	(v2sf) =	vpush v0, $0x0  }
0x1c: {  	(v2sf) =	vpush v1, $0x0;
	_ =	sdelay $0xd  }
0x1d: {  	s25 =	spop (v2sf)  }
0x1e: {  	s25 =	sshll.u32 s25, $0x4;
	s26 =	spop (v2sf)  }
0x1f: {  	s28 =	sshra.s32 s24, $0x2;
	s25 =	sand.u32 $0x1FFFFFF0, s25;
	s24 =	sshll.u32 s26, $0x4  }
0x20: {  	s26 =	sadd.s32 $0x100, s28;
	s29 =	sadd.s32 s3, s25;
	s30 =	sand.u32 $0x1FFFFFF0, s24  }
0x21: {  	[tilespmem:s26], [sflag:$0x1] =	stream.linear.gather [hbm4b:s29+s2], $0x80, $0x38;
	[tilespmem:$0x4100] =	vst v63  }
0x22: {  	s24 =	smov.u32 s22;
	s26 =	sadd.s32 $0x1100, s28;
	s29 =	sadd.s32 s4, s30  }
0x23: {  	[tilespmem:s26], [sflag:$0x1] =	stream.linear.gather [hbm4b:s29+s2], $0x80, $0x38;
	[tilespmem:$0x4100] =	vst v63  }
.Ltmp0:
0x24: {  	s25 =	sadd.s32 s5, s25;
	s26 =	sadd.s32 $0x2100, s28;
	(pc) =	sbr.rel @p0 .LBB2_2-.Ltmp0, $4  }
0x25: {  	[tilespmem:s26], [sflag:$0x1] =	stream.linear.gather [hbm4b:s25+s2], $0x80, $0x38;
	[tilespmem:$0x4100] =	vst v63  }
0x26: {  	s23 =	sadd.s32 $0x1, s23;
	s25 =	sadd.s32 $0x3100, s28;
	s26 =	sadd.s32 s6, s30  }
0x27: {  	[tilespmem:s25], [sflag:$0x1] =	stream.linear.gather [hbm4b:s26+s2], $0x80, $0x38;
	[tilespmem:$0x4100] =	vst v63  }
0x28: {  	s21 =	sadd.s32 $0x1, s21;
	s22 =	sadd.s32 $0x200, s22;
	v0 =	vld [tilespmem:s23+$0x0]  }
0x29: {  	v1 =	vld [tilespmem:s21+$0x0];
	_ =	sdelay $0x3  }
0x2a: {  	(v2sf) =	vpush v0, $0x0  }
0x2b: {  	(v2sf) =	vpush v1, $0x0;
	_ =	sdelay $0xd  }
0x2c: {  	s26 =	spop (v2sf)  }
0x2d: {  	s21 =	sshll.u32 s26, $0x4;
	s22 =	spop (v2sf)  }
0x2e: {  	s23 =	sshra.s32 s24, $0x2;
	s21 =	sand.u32 $0x1FFFFFF0, s21;
	s22 =	sshll.u32 s22, $0x4  }
0x2f: {  	s24 =	sadd.s32 $0x100, s23;
	s25 =	sadd.s32 s3, s21;
	s22 =	sand.u32 $0x1FFFFFF0, s22  }
0x30: {  	[tilespmem:s24], [sflag:$0x1] =	stream.linear.gather [hbm4b:s25+s2], $0x80, $0x38;
	[tilespmem:$0x4100] =	vst v63  }
0x31: {  	s28 =	sadd.s32 $0x1100, s23;
	s29 =	sadd.s32 s4, s22  }
0x32: {  	[tilespmem:s28], [sflag:$0x1] =	stream.linear.gather [hbm4b:s29+s2], $0x80, $0x38;
	[tilespmem:$0x4100] =	vst v63  }
0x33: {  	s30 =	sadd.s32 $0x2100, s23;
	s21 =	sadd.s32 s5, s21  }
0x34: {  	[tilespmem:s30], [sflag:$0x1] =	stream.linear.gather [hbm4b:s21+s2], $0x80, $0x38;
	[tilespmem:$0x4100] =	vst v63  }
0x35: {  	s31 =	sadd.s32 $0x3100, s23;
	s22 =	sadd.s32 s6, s22  }
0x36: {  	[tilespmem:s31], [sflag:$0x1] =	stream.linear.gather [hbm4b:s22+s2], $0x80, $0x38;
	[tilespmem:$0x4100] =	vst v63  }
0x37: {  	_ =	swait.ge [sflag:s15], $0x1000  }
0x38: {  	[sflag:s15] =	ssyncset.done $0x0  }
0x39: {  	[sflag:s15] =	ssyncadd.s32 $0xFFFFF000  }
0x3a: {  	_ =	swait.ge [sflag:s15], $0x1000  }
0x3b: {  	[sflag:s15] =	ssyncset.done $0x0  }
0x3c: {  	[sflag:s15] =	ssyncadd.s32 $0xFFFFF000  }
0x3d: {  	_ =	swait.ge [sflag:s15], $0x1000  }
0x3e: {  	[sflag:s15] =	ssyncset.done $0x0  }
0x3f: {  	[sflag:s15] =	ssyncadd.s32 $0xFFFFF000  }
0x40: {  	_ =	swait.ge [sflag:s15], $0x1000  }
0x41: {  	[sflag:s15] =	ssyncset.done $0x0  }
0x42: {  	[sflag:s15] =	ssyncadd.s32 $0xFFFFF000  }
0x43: {  	[hbm4b:s9+s2] =	stream.linear.scatter [tilespmem:s16], [sflag:$0x2], $0x1000, $0x38;
	[tilespmem:$0x4100] =	vst v63  }
0x44: {  	_ =	swait.ge [sflag:s14], $0x1000  }
0x45: {  	[sflag:s14] =	ssyncset.done $0x0  }
0x46: {  	[sflag:s14] =	ssyncadd.s32 $0xFFFFF000  }
0x47: {  	[hbm4b:s10+s2] =	stream.linear.scatter [tilespmem:s17], [sflag:$0x2], $0x1000, $0x38;
	[tilespmem:$0x4100] =	vst v63  }
0x48: {  	_ =	swait.ge [sflag:s14], $0x1000  }
0x49: {  	[sflag:s14] =	ssyncset.done $0x0  }
0x4a: {  	[sflag:s14] =	ssyncadd.s32 $0xFFFFF000  }
0x4b: {  	[hbm4b:s11+s2] =	stream.linear.scatter [tilespmem:s18], [sflag:$0x2], $0x1000, $0x38;
	[tilespmem:$0x4100] =	vst v63  }
0x4c: {  	s20 =	sadd.s32 $0x1, s20;
	_ =	swait.ge [sflag:s14], $0x1000  }
0x4d: {  	p0 =	sne.s32 s20, s13;
	[sflag:s14] =	ssyncset.done $0x0  }
.Ltmp1:
0x4e: {  	[sflag:s14] =	ssyncadd.s32 $0xFFFFF000;
	(pc) =	sbr.rel @p0 .LBB2_1-.Ltmp1, $4  }
0x4f: {  	[hbm4b:s12+s2] =	stream.linear.scatter [tilespmem:s19], [sflag:$0x2], $0x1000, $0x38;
	[tilespmem:$0x4100] =	vst v63  }
0x50: {  	_ =	swait.ge [sflag:s14], $0x1000  }
0x51: {  	[sflag:s14] =	ssyncset.done $0x0  }
0x52: {  	[sflag:s14] =	ssyncadd.s32 $0xFFFFF000  }
0x53: {  	_ =	sfence.sel $0x180000  }
0x54: {  	[bflag:$0x0] =	sbarrier.arrive $0xFFFF  }
0x55: {  	p0 =	sne.s32 s1, $0x0;
	_ =	strace $0x90000047  }
0x56: {  	s0 =	sadd.s32 @!p0 $0x100000, s0;
	[bflag:$0x2] =	sbarrier.arrive $0xFFFF  }
0x57: {  	[sflag:s0] =	ssyncadd.tile.s32 @!p0 $0x1;
	_ =	shalt  }
.Lfunc_end2:
_tile_overlayer_lowered:
.L_overlay_start_2:
0x58: {  	(tag) =	ssettag $0x2  }
0x59: {  	s0 =	rddreg [dreg:$0x0];
	s2 =	stileid.u32  }
0x5a: {  	s1 =	rddreg [dreg:$0x1];
	p0 =	sne.s32 s2, $0x0  }
0x5b: {  	s3 =	rddreg [dreg:$0x2];
	[bflag:$0x3] =	sbarrier.arrive $0xFFFF;
	s2 =	simm.s32 @!p0 $0x1C02  }
0x5c: {  	[timem:s3], [sflag:s2] =	dma.local @!p0 [hbm:s0], s1  }
0x5d: {  	s0 =	simm.s32 @!p0 $0x2  }
0x5e: {  	_ =	swait.ge @!p0 [sflag:s0], s1  }
0x5f: {  	s1 =	ssub.s32 @!p0 $0x0, s1;
	[sflag:s0] =	ssyncset.done @!p0 $0x0  }
0x60: {  	[sflag:s0] =	ssyncadd.s32 @!p0 s1  }
0x61: {  	[bflag:$0x3] =	sbarrier.arrive $0xFFFF  }
0x62: {  	_ =	shalt  }

</sc_bundles>
